<compile_context>
chip_gen: v7x
topology: tpu7x:2x2x1
jax: 0.10.2.dev20260603
libtpu: 0.0.44.dev20260713+nightly
codegen_flags: <defaults>
</compile_context>

<pallas_src>
import functools

import jax
import jax.numpy as jnp
from jax import lax
from jax.experimental import pallas as pl
from jax.experimental.pallas import tpu as pltpu
from jax.experimental.pallas import tpu_sc as plsc

B, S, D = 4096, 200, 128
_INFO = plsc.get_sparse_core_info()
NC, NS, L = _INFO.num_cores, _INFO.num_subcores, _INFO.num_lanes
NW = NC * NS
BPW = B // NW
_MESH = plsc.VectorSubcoreMesh(core_axis_name="c", subcore_axis_name="s")


@functools.partial(
    pl.kernel,
    out_type=jax.ShapeDtypeStruct((B, D), jnp.float32),
    mesh=_MESH,
    scratch_types=[
        pltpu.VMEM((BPW,), jnp.int32),
        pltpu.VMEM((BPW, D), jnp.float32),
        pltpu.VMEM((BPW, D), jnp.float32),
        pltpu.SemaphoreType.DMA,
    ],
)
def _sc_kernel(cur_hbm, enc_hbm, par_hbm, out_hbm, idx_v, rows_v, cur_v, sem):
    wid = lax.axis_index("s") * NC + lax.axis_index("c")
    base = wid * BPW

    pltpu.sync_copy(par_hbm.at[pl.ds(base, BPW)], idx_v)
    for j in range(BPW // L):
        b_vec = base + j * L + lax.iota(jnp.int32, L)
        idx_v[pl.ds(j * L, L)] = idx_v[pl.ds(j * L, L)] + b_vec * S

    gather = pltpu.async_copy(enc_hbm.at[idx_v], rows_v, sem)
    pltpu.sync_copy(cur_hbm.at[pl.ds(base, BPW)], cur_v)
    gather.wait()

    def add_row(r, _):
        for c in range(D // L):
            sl = pl.ds(c * L, L)
            rows_v[r, sl] = rows_v[r, sl] + cur_v[r, sl]
        return 0

    lax.fori_loop(0, BPW, add_row, 0)

    pltpu.sync_copy(rows_v, out_hbm.at[pl.ds(base, BPW)])


def kernel(current_node, encoded_input, parents):
    enc_flat = encoded_input.reshape(B * S, D)
    par32 = parents.astype(jnp.int32)
    return _sc_kernel(current_node, enc_flat, par32)

# --- scband reference (transcript-rebuilt; emitter-appended) ---
"""Pipeline reference for scband-parent-context-provider-42795054137717 (READ-ONLY COPY).

The authoritative reference and input builder live on the scoring server;
editing this copy changes nothing except your own understanding.
"""

import jax, jax.numpy as jnp
import numpy as np

B, S, D = 4096, 200, 128

def setup_inputs(seed: int = 0) -> dict:
    key = jax.random.key(seed)
    k1, k2, k3 = jax.random.split(key, 3)
    current_node = jax.random.normal(k1, (B, D), dtype=jnp.float32)
    encoded_input = jax.random.normal(k2, (B, S, D), dtype=jnp.float32)
    parents = jax.random.randint(k3, (B,), 0, S, dtype=jnp.int64)
    return {"current_node": current_node, "encoded_input": encoded_input, "parents": parents}

def reference(current_node, encoded_input, parents):
    # compute_context: encoded_input[range(batch_size), parents]
    batch_idx = jnp.arange(encoded_input.shape[0])
    encoded_parents = encoded_input[batch_idx, parents]  # per-row gather along seq dim
    # forward: current_node + compute_context(state, context)
    return current_node + encoded_parents

if __name__ == "__main__":
    import jax
    _d = setup_inputs()
    print(jax.jit(kernel)(*tuple(_d.values())))

</pallas_src>

<mosaic_0001>
#map = affine_map<(d0, d1) -> (0, 0)>
#map1 = affine_map<(d0, d1) -> (0)>
module attributes {stable_mosaic.version = 14 : i64} {
  func.func @_sc_kernel(%arg0: i32, %arg1: i32, %arg2: memref<4096x128xf32, #tpu.memory_space<hbm>>, %arg3: memref<819200x128xf32, #tpu.memory_space<hbm>>, %arg4: memref<4096xi32, #tpu.memory_space<hbm>>, %arg5: memref<4096x128xf32, #tpu.memory_space<hbm>>, %arg6: memref<128xi32, #tpu.memory_space<vmem>>, %arg7: memref<128x128xf32, #tpu.memory_space<vmem>>, %arg8: memref<128x128xf32, #tpu.memory_space<vmem>>, %arg9: memref<!tpu.dma_semaphore, #tpu.memory_space<semaphore_mem>>) attributes {dimension_semantics = [#tpu.dimension_semantics<core_parallel>, #tpu.dimension_semantics<subcore_parallel>], iteration_bounds = array<i64: 2, 16>, scalar_prefetch = 0 : i64, scratch_operands = 4 : i64, tpu.core_type = #tpu.core_type<sc_vector_subcore>, window_params = [{transform_indices = #map}, {transform_indices = #map}, {transform_indices = #map1}, {transform_indices = #map}]} {
    %mul3A = arith.constant 2 : i32
    %mul3A_0 = arith.muli %arg1, %mul3A : i32
    %add3A = arith.addi %mul3A_0, %arg0 : i32
    %mul3A_1 = arith.constant 128 : i32
    %mul3A_2 = arith.muli %add3A, %mul3A_1 : i32
    "tpu.region"() ({
      %run_scoped3A = tpu.sem_alloc : memref<!tpu.dma_semaphore, #tpu.memory_space<semaphore_mem>>
      %dma_start3A_138 = tpu.memref_slice %arg4[%mul3A_2] : memref<4096xi32, #tpu.memory_space<hbm>> -> memref<128xi32, #tpu.memory_space<hbm>>
      %dma_start3A_139 = tpu.memref_slice %arg4[%mul3A_2] : memref<4096xi32, #tpu.memory_space<hbm>> -> memref<128xi32, #tpu.memory_space<hbm>>
      tpu.enqueue_dma source(%dma_start3A_139 : memref<128xi32, #tpu.memory_space<hbm>>) target(%arg6 : memref<128xi32, #tpu.memory_space<vmem>>) target_semaphore(%run_scoped3A : memref<!tpu.dma_semaphore, #tpu.memory_space<semaphore_mem>>)
      %dma_wait3A_140 = tpu.memref_slice %arg4[%mul3A_2] : memref<4096xi32, #tpu.memory_space<hbm>> -> memref<128xi32, #tpu.memory_space<hbm>>
      %dma_wait3A_141 = tpu.memref_slice %arg4[%mul3A_2] : memref<4096xi32, #tpu.memory_space<hbm>> -> memref<128xi32, #tpu.memory_space<hbm>>
      tpu.wait_dma2 semaphore(%run_scoped3A : memref<!tpu.dma_semaphore, #tpu.memory_space<semaphore_mem>>) src(%dma_wait3A_141 : memref<128xi32, #tpu.memory_space<hbm>>) dst(%arg6 : memref<128xi32, #tpu.memory_space<vmem>>)
      tpu.yield
    }) : () -> ()
    %add3A_3 = arith.constant 0 : i32
    %add3A_4 = arith.addi %mul3A_2, %add3A_3 : i32
    %iota3A = tpu.iota {dimensions = array<i32: 0>} : vector<16xi32>
    %add3A_5 = vector.broadcast %add3A_4 : i32 to vector<16xi32>
    %add3A_6 = arith.addi %add3A_5, %iota3A : vector<16xi32>
    %get3A = arith.constant 0 : index
    %get3A_7 = tpu.vector_load %arg6[%get3A] {strides = array<i32>} : memref<128xi32, #tpu.memory_space<vmem>>, vector<16xi32>,
    %get3A_8 = vector.shape_cast %get3A_7 : vector<16xi32> to vector<16xi32>
    %mul3A_9 = arith.constant 200 : i32
    %mul3A_10 = vector.broadcast %mul3A_9 : i32 to vector<16xi32>
    %mul3A_11 = arith.muli %add3A_6, %mul3A_10 : vector<16xi32>
    %add3A_12 = arith.addi %get3A_8, %mul3A_11 : vector<16xi32>
    %swap3A = arith.constant 0 : index
    %swap3A_13 = tpu.vector_load %arg6[%swap3A] {strides = array<i32>} : memref<128xi32, #tpu.memory_space<vmem>>, vector<16xi32>,
    %swap3A_14 = vector.shape_cast %swap3A_13 : vector<16xi32> to vector<16xi32>
    %swap3A_15 = vector.shape_cast %add3A_12 : vector<16xi32> to vector<16xi32>
    tpu.vector_store %arg6[%swap3A], %swap3A_15 {strides = array<i32>} : memref<128xi32, #tpu.memory_space<vmem>>, vector<16xi32>,
    %add3A_16 = arith.constant 16 : i32
    %add3A_17 = arith.addi %mul3A_2, %add3A_16 : i32
    %iota3A_18 = tpu.iota {dimensions = array<i32: 0>} : vector<16xi32>
    %add3A_19 = vector.broadcast %add3A_17 : i32 to vector<16xi32>
    %add3A_20 = arith.addi %add3A_19, %iota3A_18 : vector<16xi32>
    %get3A_21 = arith.constant 16 : index
    %get3A_22 = tpu.vector_load %arg6[%get3A_21] {strides = array<i32>} : memref<128xi32, #tpu.memory_space<vmem>>, vector<16xi32>,
    %get3A_23 = vector.shape_cast %get3A_22 : vector<16xi32> to vector<16xi32>
    %mul3A_24 = arith.constant 200 : i32
    %mul3A_25 = vector.broadcast %mul3A_24 : i32 to vector<16xi32>
    %mul3A_26 = arith.muli %add3A_20, %mul3A_25 : vector<16xi32>
    %add3A_27 = arith.addi %get3A_23, %mul3A_26 : vector<16xi32>
    %swap3A_28 = arith.constant 16 : index
    %swap3A_29 = tpu.vector_load %arg6[%swap3A_28] {strides = array<i32>} : memref<128xi32, #tpu.memory_space<vmem>>, vector<16xi32>,
    %swap3A_30 = vector.shape_cast %swap3A_29 : vector<16xi32> to vector<16xi32>
    %swap3A_31 = vector.shape_cast %add3A_27 : vector<16xi32> to vector<16xi32>
    tpu.vector_store %arg6[%swap3A_28], %swap3A_31 {strides = array<i32>} : memref<128xi32, #tpu.memory_space<vmem>>, vector<16xi32>,
    %add3A_32 = arith.constant 32 : i32
    %add3A_33 = arith.addi %mul3A_2, %add3A_32 : i32
    %iota3A_34 = tpu.iota {dimensions = array<i32: 0>} : vector<16xi32>
    %add3A_35 = vector.broadcast %add3A_33 : i32 to vector<16xi32>
    %add3A_36 = arith.addi %add3A_35, %iota3A_34 : vector<16xi32>
    %get3A_37 = arith.constant 32 : index
    %get3A_38 = tpu.vector_load %arg6[%get3A_37] {strides = array<i32>} : memref<128xi32, #tpu.memory_space<vmem>>, vector<16xi32>,
    %get3A_39 = vector.shape_cast %get3A_38 : vector<16xi32> to vector<16xi32>
    %mul3A_40 = arith.constant 200 : i32
    %mul3A_41 = vector.broadcast %mul3A_40 : i32 to vector<16xi32>
    %mul3A_42 = arith.muli %add3A_36, %mul3A_41 : vector<16xi32>
    %add3A_43 = arith.addi %get3A_39, %mul3A_42 : vector<16xi32>
    %swap3A_44 = arith.constant 32 : index
    %swap3A_45 = tpu.vector_load %arg6[%swap3A_44] {strides = array<i32>} : memref<128xi32, #tpu.memory_space<vmem>>, vector<16xi32>,
    %swap3A_46 = vector.shape_cast %swap3A_45 : vector<16xi32> to vector<16xi32>
    %swap3A_47 = vector.shape_cast %add3A_43 : vector<16xi32> to vector<16xi32>
    tpu.vector_store %arg6[%swap3A_44], %swap3A_47 {strides = array<i32>} : memref<128xi32, #tpu.memory_space<vmem>>, vector<16xi32>,
    %add3A_48 = arith.constant 48 : i32
    %add3A_49 = arith.addi %mul3A_2, %add3A_48 : i32
    %iota3A_50 = tpu.iota {dimensions = array<i32: 0>} : vector<16xi32>
    %add3A_51 = vector.broadcast %add3A_49 : i32 to vector<16xi32>
    %add3A_52 = arith.addi %add3A_51, %iota3A_50 : vector<16xi32>
    %get3A_53 = arith.constant 48 : index
    %get3A_54 = tpu.vector_load %arg6[%get3A_53] {strides = array<i32>} : memref<128xi32, #tpu.memory_space<vmem>>, vector<16xi32>,
    %get3A_55 = vector.shape_cast %get3A_54 : vector<16xi32> to vector<16xi32>
    %mul3A_56 = arith.constant 200 : i32
    %mul3A_57 = vector.broadcast %mul3A_56 : i32 to vector<16xi32>
    %mul3A_58 = arith.muli %add3A_52, %mul3A_57 : vector<16xi32>
    %add3A_59 = arith.addi %get3A_55, %mul3A_58 : vector<16xi32>
    %swap3A_60 = arith.constant 48 : index
    %swap3A_61 = tpu.vector_load %arg6[%swap3A_60] {strides = array<i32>} : memref<128xi32, #tpu.memory_space<vmem>>, vector<16xi32>,
    %swap3A_62 = vector.shape_cast %swap3A_61 : vector<16xi32> to vector<16xi32>
    %swap3A_63 = vector.shape_cast %add3A_59 : vector<16xi32> to vector<16xi32>
    tpu.vector_store %arg6[%swap3A_60], %swap3A_63 {strides = array<i32>} : memref<128xi32, #tpu.memory_space<vmem>>, vector<16xi32>,
    %add3A_64 = arith.constant 64 : i32
    %add3A_65 = arith.addi %mul3A_2, %add3A_64 : i32
    %iota3A_66 = tpu.iota {dimensions = array<i32: 0>} : vector<16xi32>
    %add3A_67 = vector.broadcast %add3A_65 : i32 to vector<16xi32>
    %add3A_68 = arith.addi %add3A_67, %iota3A_66 : vector<16xi32>
    %get3A_69 = arith.constant 64 : index
    %get3A_70 = tpu.vector_load %arg6[%get3A_69] {strides = array<i32>} : memref<128xi32, #tpu.memory_space<vmem>>, vector<16xi32>,
    %get3A_71 = vector.shape_cast %get3A_70 : vector<16xi32> to vector<16xi32>
    %mul3A_72 = arith.constant 200 : i32
    %mul3A_73 = vector.broadcast %mul3A_72 : i32 to vector<16xi32>
    %mul3A_74 = arith.muli %add3A_68, %mul3A_73 : vector<16xi32>
    %add3A_75 = arith.addi %get3A_71, %mul3A_74 : vector<16xi32>
    %swap3A_76 = arith.constant 64 : index
    %swap3A_77 = tpu.vector_load %arg6[%swap3A_76] {strides = array<i32>} : memref<128xi32, #tpu.memory_space<vmem>>, vector<16xi32>,
    %swap3A_78 = vector.shape_cast %swap3A_77 : vector<16xi32> to vector<16xi32>
    %swap3A_79 = vector.shape_cast %add3A_75 : vector<16xi32> to vector<16xi32>
    tpu.vector_store %arg6[%swap3A_76], %swap3A_79 {strides = array<i32>} : memref<128xi32, #tpu.memory_space<vmem>>, vector<16xi32>,
    %add3A_80 = arith.constant 80 : i32
    %add3A_81 = arith.addi %mul3A_2, %add3A_80 : i32
    %iota3A_82 = tpu.iota {dimensions = array<i32: 0>} : vector<16xi32>
    %add3A_83 = vector.broadcast %add3A_81 : i32 to vector<16xi32>
    %add3A_84 = arith.addi %add3A_83, %iota3A_82 : vector<16xi32>
    %get3A_85 = arith.constant 80 : index
    %get3A_86 = tpu.vector_load %arg6[%get3A_85] {strides = array<i32>} : memref<128xi32, #tpu.memory_space<vmem>>, vector<16xi32>,
    %get3A_87 = vector.shape_cast %get3A_86 : vector<16xi32> to vector<16xi32>
    %mul3A_88 = arith.constant 200 : i32
    %mul3A_89 = vector.broadcast %mul3A_88 : i32 to vector<16xi32>
    %mul3A_90 = arith.muli %add3A_84, %mul3A_89 : vector<16xi32>
    %add3A_91 = arith.addi %get3A_87, %mul3A_90 : vector<16xi32>
    %swap3A_92 = arith.constant 80 : index
    %swap3A_93 = tpu.vector_load %arg6[%swap3A_92] {strides = array<i32>} : memref<128xi32, #tpu.memory_space<vmem>>, vector<16xi32>,
    %swap3A_94 = vector.shape_cast %swap3A_93 : vector<16xi32> to vector<16xi32>
    %swap3A_95 = vector.shape_cast %add3A_91 : vector<16xi32> to vector<16xi32>
    tpu.vector_store %arg6[%swap3A_92], %swap3A_95 {strides = array<i32>} : memref<128xi32, #tpu.memory_space<vmem>>, vector<16xi32>,
    %add3A_96 = arith.constant 96 : i32
    %add3A_97 = arith.addi %mul3A_2, %add3A_96 : i32
    %iota3A_98 = tpu.iota {dimensions = array<i32: 0>} : vector<16xi32>
    %add3A_99 = vector.broadcast %add3A_97 : i32 to vector<16xi32>
    %add3A_100 = arith.addi %add3A_99, %iota3A_98 : vector<16xi32>
    %get3A_101 = arith.constant 96 : index
    %get3A_102 = tpu.vector_load %arg6[%get3A_101] {strides = array<i32>} : memref<128xi32, #tpu.memory_space<vmem>>, vector<16xi32>,
    %get3A_103 = vector.shape_cast %get3A_102 : vector<16xi32> to vector<16xi32>
    %mul3A_104 = arith.constant 200 : i32
    %mul3A_105 = vector.broadcast %mul3A_104 : i32 to vector<16xi32>
    %mul3A_106 = arith.muli %add3A_100, %mul3A_105 : vector<16xi32>
    %add3A_107 = arith.addi %get3A_103, %mul3A_106 : vector<16xi32>
    %swap3A_108 = arith.constant 96 : index
    %swap3A_109 = tpu.vector_load %arg6[%swap3A_108] {strides = array<i32>} : memref<128xi32, #tpu.memory_space<vmem>>, vector<16xi32>,
    %swap3A_110 = vector.shape_cast %swap3A_109 : vector<16xi32> to vector<16xi32>
    %swap3A_111 = vector.shape_cast %add3A_107 : vector<16xi32> to vector<16xi32>
    tpu.vector_store %arg6[%swap3A_108], %swap3A_111 {strides = array<i32>} : memref<128xi32, #tpu.memory_space<vmem>>, vector<16xi32>,
    %add3A_112 = arith.constant 112 : i32
    %add3A_113 = arith.addi %mul3A_2, %add3A_112 : i32
    %iota3A_114 = tpu.iota {dimensions = array<i32: 0>} : vector<16xi32>
    %add3A_115 = vector.broadcast %add3A_113 : i32 to vector<16xi32>
    %add3A_116 = arith.addi %add3A_115, %iota3A_114 : vector<16xi32>
    %get3A_117 = arith.constant 112 : index
    %get3A_118 = tpu.vector_load %arg6[%get3A_117] {strides = array<i32>} : memref<128xi32, #tpu.memory_space<vmem>>, vector<16xi32>,
    %get3A_119 = vector.shape_cast %get3A_118 : vector<16xi32> to vector<16xi32>
    %mul3A_120 = arith.constant 200 : i32
    %mul3A_121 = vector.broadcast %mul3A_120 : i32 to vector<16xi32>
    %mul3A_122 = arith.muli %add3A_116, %mul3A_121 : vector<16xi32>
    %add3A_123 = arith.addi %get3A_119, %mul3A_122 : vector<16xi32>
    %swap3A_124 = arith.constant 112 : index
    %swap3A_125 = tpu.vector_load %arg6[%swap3A_124] {strides = array<i32>} : memref<128xi32, #tpu.memory_space<vmem>>, vector<16xi32>,
    %swap3A_126 = vector.shape_cast %swap3A_125 : vector<16xi32> to vector<16xi32>
    %swap3A_127 = vector.shape_cast %add3A_123 : vector<16xi32> to vector<16xi32>
    tpu.vector_store %arg6[%swap3A_124], %swap3A_127 {strides = array<i32>} : memref<128xi32, #tpu.memory_space<vmem>>, vector<16xi32>,
    %dma_start3A = arith.constant 0 : i32
    %dma_start3A_128 = arith.constant 0 : i32
    %dma_start3A_129 = tpu.memref_slice %arg3[%dma_start3A, %dma_start3A_128] : memref<819200x128xf32, #tpu.memory_space<hbm>> -> memref<819200x128xf32, #tpu.memory_space<hbm>>
    tpu.enqueue_indirect_dma source(%dma_start3A_129 : memref<819200x128xf32, #tpu.memory_space<hbm>>) target(%arg7 : memref<128x128xf32, #tpu.memory_space<vmem>>) offsets(%arg6 : memref<128xi32, #tpu.memory_space<vmem>>) semaphore(%arg9 : memref<!tpu.dma_semaphore, #tpu.memory_space<semaphore_mem>>)
    "tpu.region"() ({
      %run_scoped3A = tpu.sem_alloc : memref<!tpu.dma_semaphore, #tpu.memory_space<semaphore_mem>>
      %dma_start3A_138 = arith.constant 0 : i32
      %dma_start3A_139 = tpu.memref_slice %arg2[%mul3A_2, %dma_start3A_138] : memref<4096x128xf32, #tpu.memory_space<hbm>> -> memref<128x128xf32, #tpu.memory_space<hbm>>
      %dma_start3A_140 = arith.constant 0 : i32
      %dma_start3A_141 = tpu.memref_slice %arg2[%mul3A_2, %dma_start3A_140] : memref<4096x128xf32, #tpu.memory_space<hbm>> -> memref<128x128xf32, #tpu.memory_space<hbm>>
      tpu.enqueue_dma source(%dma_start3A_141 : memref<128x128xf32, #tpu.memory_space<hbm>>) target(%arg8 : memref<128x128xf32, #tpu.memory_space<vmem>>) target_semaphore(%run_scoped3A : memref<!tpu.dma_semaphore, #tpu.memory_space<semaphore_mem>>)
      %dma_wait3A_142 = arith.constant 0 : i32
      %dma_wait3A_143 = tpu.memref_slice %arg2[%mul3A_2, %dma_wait3A_142] : memref<4096x128xf32, #tpu.memory_space<hbm>> -> memref<128x128xf32, #tpu.memory_space<hbm>>
      %dma_wait3A_144 = arith.constant 0 : i32
      %dma_wait3A_145 = tpu.memref_slice %arg2[%mul3A_2, %dma_wait3A_144] : memref<4096x128xf32, #tpu.memory_space<hbm>> -> memref<128x128xf32, #tpu.memory_space<hbm>>
      tpu.wait_dma2 semaphore(%run_scoped3A : memref<!tpu.dma_semaphore, #tpu.memory_space<semaphore_mem>>) src(%dma_wait3A_145 : memref<128x128xf32, #tpu.memory_space<hbm>>) dst(%arg8 : memref<128x128xf32, #tpu.memory_space<vmem>>)
      tpu.yield
    }) : () -> ()
    %dma_wait3A = arith.constant 0 : i32
    %dma_wait3A_130 = arith.constant 0 : i32
    %dma_wait3A_131 = tpu.memref_slice %arg3[%dma_wait3A, %dma_wait3A_130] : memref<819200x128xf32, #tpu.memory_space<hbm>> -> memref<819200x128xf32, #tpu.memory_space<hbm>>
    tpu.wait_indirect_dma semaphore(%arg9 : memref<!tpu.dma_semaphore, #tpu.memory_space<semaphore_mem>>) src(%dma_wait3A_131 : memref<819200x128xf32, #tpu.memory_space<hbm>>) dst(%arg7 : memref<128x128xf32, #tpu.memory_space<vmem>>)
    %scan3A = arith.constant 0 : i32
    %scan3A_132 = arith.constant 0 : i32
    %scan3A_133 = arith.constant 128 : i32
    %scan3A_134 = arith.addi %scan3A_132, %scan3A_133 : i32
    %scan3A_135 = arith.constant 1 : i32
    %scan3A_136 = scf.for %scan3A_138 = %scan3A_132 to %scan3A_134 step %scan3A_135 iter_args(%scan3A_139 = %scan3A) -> (i32)  : i32 {
      %get3A_140 = arith.index_cast %scan3A_138 : i32 to index
      %get3A_141 = arith.constant 0 : index
      %get3A_142 = tpu.vector_load %arg7[%get3A_140, %get3A_141] {strides = array<i32>} : memref<128x128xf32, #tpu.memory_space<vmem>>, vector<1x16xf32>,
      %get3A_143 = vector.shape_cast %get3A_142 : vector<1x16xf32> to vector<16xf32>
      %get3A_144 = arith.index_cast %scan3A_138 : i32 to index
      %get3A_145 = arith.constant 0 : index
      %get3A_146 = tpu.vector_load %arg8[%get3A_144, %get3A_145] {strides = array<i32>} : memref<128x128xf32, #tpu.memory_space<vmem>>, vector<1x16xf32>,
      %get3A_147 = vector.shape_cast %get3A_146 : vector<1x16xf32> to vector<16xf32>
      %add3A_148 = arith.addf %get3A_143, %get3A_147 : vector<16xf32>
      %swap3A_149 = arith.index_cast %scan3A_138 : i32 to index
      %swap3A_150 = arith.constant 0 : index
      %swap3A_151 = tpu.vector_load %arg7[%swap3A_149, %swap3A_150] {strides = array<i32>} : memref<128x128xf32, #tpu.memory_space<vmem>>, vector<1x16xf32>,
      %swap3A_152 = vector.shape_cast %swap3A_151 : vector<1x16xf32> to vector<16xf32>
      %swap3A_153 = vector.shape_cast %add3A_148 : vector<16xf32> to vector<1x16xf32>
      tpu.vector_store %arg7[%swap3A_149, %swap3A_150], %swap3A_153 {strides = array<i32>} : memref<128x128xf32, #tpu.memory_space<vmem>>, vector<1x16xf32>,
      %get3A_154 = arith.index_cast %scan3A_138 : i32 to index
      %get3A_155 = arith.constant 16 : index
      %get3A_156 = tpu.vector_load %arg7[%get3A_154, %get3A_155] {strides = array<i32>} : memref<128x128xf32, #tpu.memory_space<vmem>>, vector<1x16xf32>,
      %get3A_157 = vector.shape_cast %get3A_156 : vector<1x16xf32> to vector<16xf32>
      %get3A_158 = arith.index_cast %scan3A_138 : i32 to index
      %get3A_159 = arith.constant 16 : index
      %get3A_160 = tpu.vector_load %arg8[%get3A_158, %get3A_159] {strides = array<i32>} : memref<128x128xf32, #tpu.memory_space<vmem>>, vector<1x16xf32>,
      %get3A_161 = vector.shape_cast %get3A_160 : vector<1x16xf32> to vector<16xf32>
      %add3A_162 = arith.addf %get3A_157, %get3A_161 : vector<16xf32>
      %swap3A_163 = arith.index_cast %scan3A_138 : i32 to index
      %swap3A_164 = arith.constant 16 : index
      %swap3A_165 = tpu.vector_load %arg7[%swap3A_163, %swap3A_164] {strides = array<i32>} : memref<128x128xf32, #tpu.memory_space<vmem>>, vector<1x16xf32>,
      %swap3A_166 = vector.shape_cast %swap3A_165 : vector<1x16xf32> to vector<16xf32>
      %swap3A_167 = vector.shape_cast %add3A_162 : vector<16xf32> to vector<1x16xf32>
      tpu.vector_store %arg7[%swap3A_163, %swap3A_164], %swap3A_167 {strides = array<i32>} : memref<128x128xf32, #tpu.memory_space<vmem>>, vector<1x16xf32>,
      %get3A_168 = arith.index_cast %scan3A_138 : i32 to index
      %get3A_169 = arith.constant 32 : index
      %get3A_170 = tpu.vector_load %arg7[%get3A_168, %get3A_169] {strides = array<i32>} : memref<128x128xf32, #tpu.memory_space<vmem>>, vector<1x16xf32>,
      %get3A_171 = vector.shape_cast %get3A_170 : vector<1x16xf32> to vector<16xf32>
      %get3A_172 = arith.index_cast %scan3A_138 : i32 to index
      %get3A_173 = arith.constant 32 : index
      %get3A_174 = tpu.vector_load %arg8[%get3A_172, %get3A_173] {strides = array<i32>} : memref<128x128xf32, #tpu.memory_space<vmem>>, vector<1x16xf32>,
      %get3A_175 = vector.shape_cast %get3A_174 : vector<1x16xf32> to vector<16xf32>
      %add3A_176 = arith.addf %get3A_171, %get3A_175 : vector<16xf32>
      %swap3A_177 = arith.index_cast %scan3A_138 : i32 to index
      %swap3A_178 = arith.constant 32 : index
      %swap3A_179 = tpu.vector_load %arg7[%swap3A_177, %swap3A_178] {strides = array<i32>} : memref<128x128xf32, #tpu.memory_space<vmem>>, vector<1x16xf32>,
      %swap3A_180 = vector.shape_cast %swap3A_179 : vector<1x16xf32> to vector<16xf32>
      %swap3A_181 = vector.shape_cast %add3A_176 : vector<16xf32> to vector<1x16xf32>
      tpu.vector_store %arg7[%swap3A_177, %swap3A_178], %swap3A_181 {strides = array<i32>} : memref<128x128xf32, #tpu.memory_space<vmem>>, vector<1x16xf32>,
      %get3A_182 = arith.index_cast %scan3A_138 : i32 to index
      %get3A_183 = arith.constant 48 : index
      %get3A_184 = tpu.vector_load %arg7[%get3A_182, %get3A_183] {strides = array<i32>} : memref<128x128xf32, #tpu.memory_space<vmem>>, vector<1x16xf32>,
      %get3A_185 = vector.shape_cast %get3A_184 : vector<1x16xf32> to vector<16xf32>
      %get3A_186 = arith.index_cast %scan3A_138 : i32 to index
      %get3A_187 = arith.constant 48 : index
      %get3A_188 = tpu.vector_load %arg8[%get3A_186, %get3A_187] {strides = array<i32>} : memref<128x128xf32, #tpu.memory_space<vmem>>, vector<1x16xf32>,
      %get3A_189 = vector.shape_cast %get3A_188 : vector<1x16xf32> to vector<16xf32>
      %add3A_190 = arith.addf %get3A_185, %get3A_189 : vector<16xf32>
      %swap3A_191 = arith.index_cast %scan3A_138 : i32 to index
      %swap3A_192 = arith.constant 48 : index
      %swap3A_193 = tpu.vector_load %arg7[%swap3A_191, %swap3A_192] {strides = array<i32>} : memref<128x128xf32, #tpu.memory_space<vmem>>, vector<1x16xf32>,
      %swap3A_194 = vector.shape_cast %swap3A_193 : vector<1x16xf32> to vector<16xf32>
      %swap3A_195 = vector.shape_cast %add3A_190 : vector<16xf32> to vector<1x16xf32>
      tpu.vector_store %arg7[%swap3A_191, %swap3A_192], %swap3A_195 {strides = array<i32>} : memref<128x128xf32, #tpu.memory_space<vmem>>, vector<1x16xf32>,
      %get3A_196 = arith.index_cast %scan3A_138 : i32 to index
      %get3A_197 = arith.constant 64 : index
      %get3A_198 = tpu.vector_load %arg7[%get3A_196, %get3A_197] {strides = array<i32>} : memref<128x128xf32, #tpu.memory_space<vmem>>, vector<1x16xf32>,
      %get3A_199 = vector.shape_cast %get3A_198 : vector<1x16xf32> to vector<16xf32>
      %get3A_200 = arith.index_cast %scan3A_138 : i32 to index
      %get3A_201 = arith.constant 64 : index
      %get3A_202 = tpu.vector_load %arg8[%get3A_200, %get3A_201] {strides = array<i32>} : memref<128x128xf32, #tpu.memory_space<vmem>>, vector<1x16xf32>,
      %get3A_203 = vector.shape_cast %get3A_202 : vector<1x16xf32> to vector<16xf32>
      %add3A_204 = arith.addf %get3A_199, %get3A_203 : vector<16xf32>
      %swap3A_205 = arith.index_cast %scan3A_138 : i32 to index
      %swap3A_206 = arith.constant 64 : index
      %swap3A_207 = tpu.vector_load %arg7[%swap3A_205, %swap3A_206] {strides = array<i32>} : memref<128x128xf32, #tpu.memory_space<vmem>>, vector<1x16xf32>,
      %swap3A_208 = vector.shape_cast %swap3A_207 : vector<1x16xf32> to vector<16xf32>
      %swap3A_209 = vector.shape_cast %add3A_204 : vector<16xf32> to vector<1x16xf32>
      tpu.vector_store %arg7[%swap3A_205, %swap3A_206], %swap3A_209 {strides = array<i32>} : memref<128x128xf32, #tpu.memory_space<vmem>>, vector<1x16xf32>,
      %get3A_210 = arith.index_cast %scan3A_138 : i32 to index
      %get3A_211 = arith.constant 80 : index
      %get3A_212 = tpu.vector_load %arg7[%get3A_210, %get3A_211] {strides = array<i32>} : memref<128x128xf32, #tpu.memory_space<vmem>>, vector<1x16xf32>,
      %get3A_213 = vector.shape_cast %get3A_212 : vector<1x16xf32> to vector<16xf32>
      %get3A_214 = arith.index_cast %scan3A_138 : i32 to index
      %get3A_215 = arith.constant 80 : index
      %get3A_216 = tpu.vector_load %arg8[%get3A_214, %get3A_215] {strides = array<i32>} : memref<128x128xf32, #tpu.memory_space<vmem>>, vector<1x16xf32>,
      %get3A_217 = vector.shape_cast %get3A_216 : vector<1x16xf32> to vector<16xf32>
      %add3A_218 = arith.addf %get3A_213, %get3A_217 : vector<16xf32>
      %swap3A_219 = arith.index_cast %scan3A_138 : i32 to index
      %swap3A_220 = arith.constant 80 : index
      %swap3A_221 = tpu.vector_load %arg7[%swap3A_219, %swap3A_220] {strides = array<i32>} : memref<128x128xf32, #tpu.memory_space<vmem>>, vector<1x16xf32>,
      %swap3A_222 = vector.shape_cast %swap3A_221 : vector<1x16xf32> to vector<16xf32>
      %swap3A_223 = vector.shape_cast %add3A_218 : vector<16xf32> to vector<1x16xf32>
      tpu.vector_store %arg7[%swap3A_219, %swap3A_220], %swap3A_223 {strides = array<i32>} : memref<128x128xf32, #tpu.memory_space<vmem>>, vector<1x16xf32>,
      %get3A_224 = arith.index_cast %scan3A_138 : i32 to index
      %get3A_225 = arith.constant 96 : index
      %get3A_226 = tpu.vector_load %arg7[%get3A_224, %get3A_225] {strides = array<i32>} : memref<128x128xf32, #tpu.memory_space<vmem>>, vector<1x16xf32>,
      %get3A_227 = vector.shape_cast %get3A_226 : vector<1x16xf32> to vector<16xf32>
      %get3A_228 = arith.index_cast %scan3A_138 : i32 to index
      %get3A_229 = arith.constant 96 : index
      %get3A_230 = tpu.vector_load %arg8[%get3A_228, %get3A_229] {strides = array<i32>} : memref<128x128xf32, #tpu.memory_space<vmem>>, vector<1x16xf32>,
      %get3A_231 = vector.shape_cast %get3A_230 : vector<1x16xf32> to vector<16xf32>
      %add3A_232 = arith.addf %get3A_227, %get3A_231 : vector<16xf32>
      %swap3A_233 = arith.index_cast %scan3A_138 : i32 to index
      %swap3A_234 = arith.constant 96 : index
      %swap3A_235 = tpu.vector_load %arg7[%swap3A_233, %swap3A_234] {strides = array<i32>} : memref<128x128xf32, #tpu.memory_space<vmem>>, vector<1x16xf32>,
      %swap3A_236 = vector.shape_cast %swap3A_235 : vector<1x16xf32> to vector<16xf32>
      %swap3A_237 = vector.shape_cast %add3A_232 : vector<16xf32> to vector<1x16xf32>
      tpu.vector_store %arg7[%swap3A_233, %swap3A_234], %swap3A_237 {strides = array<i32>} : memref<128x128xf32, #tpu.memory_space<vmem>>, vector<1x16xf32>,
      %get3A_238 = arith.index_cast %scan3A_138 : i32 to index
      %get3A_239 = arith.constant 112 : index
      %get3A_240 = tpu.vector_load %arg7[%get3A_238, %get3A_239] {strides = array<i32>} : memref<128x128xf32, #tpu.memory_space<vmem>>, vector<1x16xf32>,
      %get3A_241 = vector.shape_cast %get3A_240 : vector<1x16xf32> to vector<16xf32>
      %get3A_242 = arith.index_cast %scan3A_138 : i32 to index
      %get3A_243 = arith.constant 112 : index
      %get3A_244 = tpu.vector_load %arg8[%get3A_242, %get3A_243] {strides = array<i32>} : memref<128x128xf32, #tpu.memory_space<vmem>>, vector<1x16xf32>,
      %get3A_245 = vector.shape_cast %get3A_244 : vector<1x16xf32> to vector<16xf32>
      %add3A_246 = arith.addf %get3A_241, %get3A_245 : vector<16xf32>
      %swap3A_247 = arith.index_cast %scan3A_138 : i32 to index
      %swap3A_248 = arith.constant 112 : index
      %swap3A_249 = tpu.vector_load %arg7[%swap3A_247, %swap3A_248] {strides = array<i32>} : memref<128x128xf32, #tpu.memory_space<vmem>>, vector<1x16xf32>,
      %swap3A_250 = vector.shape_cast %swap3A_249 : vector<1x16xf32> to vector<16xf32>
      %swap3A_251 = vector.shape_cast %add3A_246 : vector<16xf32> to vector<1x16xf32>
      tpu.vector_store %arg7[%swap3A_247, %swap3A_248], %swap3A_251 {strides = array<i32>} : memref<128x128xf32, #tpu.memory_space<vmem>>, vector<1x16xf32>,
      %scan3A_252 = arith.constant 0 : i32
      scf.yield %scan3A_252 : i32
    }
    %scan3A_137 = arith.constant 128 : i32
    "tpu.region"() ({
      %run_scoped3A = tpu.sem_alloc : memref<!tpu.dma_semaphore, #tpu.memory_space<semaphore_mem>>
      %dma_start3A_138 = arith.constant 0 : i32
      %dma_start3A_139 = tpu.memref_slice %arg5[%mul3A_2, %dma_start3A_138] : memref<4096x128xf32, #tpu.memory_space<hbm>> -> memref<128x128xf32, #tpu.memory_space<hbm>>
      %dma_start3A_140 = arith.constant 0 : i32
      %dma_start3A_141 = tpu.memref_slice %arg5[%mul3A_2, %dma_start3A_140] : memref<4096x128xf32, #tpu.memory_space<hbm>> -> memref<128x128xf32, #tpu.memory_space<hbm>>
      tpu.enqueue_dma source(%arg7 : memref<128x128xf32, #tpu.memory_space<vmem>>) target(%dma_start3A_141 : memref<128x128xf32, #tpu.memory_space<hbm>>) target_semaphore(%run_scoped3A : memref<!tpu.dma_semaphore, #tpu.memory_space<semaphore_mem>>)
      %dma_wait3A_142 = arith.constant 0 : i32
      %dma_wait3A_143 = tpu.memref_slice %arg5[%mul3A_2, %dma_wait3A_142] : memref<4096x128xf32, #tpu.memory_space<hbm>> -> memref<128x128xf32, #tpu.memory_space<hbm>>
      %dma_wait3A_144 = arith.constant 0 : i32
      %dma_wait3A_145 = tpu.memref_slice %arg5[%mul3A_2, %dma_wait3A_144] : memref<4096x128xf32, #tpu.memory_space<hbm>> -> memref<128x128xf32, #tpu.memory_space<hbm>>
      tpu.wait_dma2 semaphore(%run_scoped3A : memref<!tpu.dma_semaphore, #tpu.memory_space<semaphore_mem>>) src(%arg7 : memref<128x128xf32, #tpu.memory_space<vmem>>) dst(%dma_wait3A_145 : memref<128x128xf32, #tpu.memory_space<hbm>>)
      tpu.yield
    }) : () -> ()
    return
  }
}

</mosaic_0001>

<sc_bundles>
// kernel: kernel.3.cloned.1.call-start
scs
__scs_entry_jumppad:
0x0: {  	(pc) =	sbr.rel $0x88, $3  }
0x1: {  	(tag) =	ssettag $0x0;
	lr =	simm.s32 $0x1  }
0x2: {  	[smem:$0x3F9E] =	sst lr;
	_ =	strace $0xD0000000  }
0x3: {  	_ = 	snop  }
0x4: {  	_ = 	snop  }
0x5: {  	_ = 	snop  }
0x6: {  	_ = 	snop  }
0x7: {  	_ = 	snop  }
__scs_overlays_trampoline_lowered:
0x8: {  	[smem:$0x3FAD] =	sst s0  }
0x9: {  	[smem:$0x3FAE] =	sst s1  }
0xa: {  	[smem:$0x3FAF] =	sst s2  }
0xb: {  	[smem:$0x3FB0] =	sst s3  }
0xc: {  	[smem:$0x3FB1] =	sst s4  }
0xd: {  	[smem:$0x3FB2] =	sst s5  }
0xe: {  	[smem:$0x3FB3] =	sst s6  }
0xf: {  	[smem:$0x3FB4] =	sst s7  }
0x10: {  	[smem:$0x3FB5] =	sst s8  }
0x11: {  	[smem:$0x3FB6] =	sst s9;
	s0 =	simm.s32 @!p0 $0x0  }
0x12: {  	s1 =	sld [smem:$0x3F9C];
	s0 =	simm.s32 @p0 $0x1  }
0x13: {  	[smem:$0x3FB7] =	sst s0;
	s0 =	simm.s32 @!p1 $0x0  }
0x14: {  	s2 =	sld [smem:$0x3F9B];
	s0 =	simm.s32 @p1 $0x1  }
0x15: {  	[smem:$0x3FB8] =	sst s0;
	s0 =	simm.s32 @!p2 $0x0  }
0x16: {  	s3 =	sld [smem:$0x3FDB];
	s0 =	simm.s32 @p2 $0x1  }
0x17: {  	s4 =	simm.s32 $0x1BF5;
	[smem:$0x3FBA] =	sst s0  }
0x18: {  	s0 =	sld [smem:$0x3F9D];
	_ =	swait.ge [sflag:s4], $0x0  }
0x19: {  	s7 =	sld [smem:$0x3F9E]  }
0x1a: {  	s8 =	sadd.s32 $0xFFFFE003, lr  }
0x1b: {  	s9 =	sadd.s32 $0xFFFFFEF7, lr;
	s5 =	simm.s32 $0xFFFFFFFF;
	p2 =	slt.u32 s8, $0xFFFFF086  }
0x1c: {  	p1 =	slt.u32 s9, $0xF7A;
	s5 =	simm.s32 @!p2 $0x0  }
0x1d: {  	s5 =	simm.s32 @p1 $0x1;
	p0 =	seq.s32 s7, s2  }
0x1e: {  	s7 =	smul.u32 @!p0 $0xF7A, s2;
	p2 =	seq.s32 @!p0 s5, $0x0  }
0x1f: {  	s9 =	smul.u32 $0xF7A, s1;
	s8 =	simm.s32 @!p0 $0x1BF5;
	p2 =	por !p2, p0  }
0x20: {  	[sflag:s8] =	ssyncset.s32 @!p0 $0xFFFFF086;
	s6 =	sadd.s32 @!p0 s3, s7;
	s7 =	simm.s32 @!p0 $0x108  }
0x21: {  	s3 =	sadd.s32 s3, s9;
	s6 =	sadd.s32 @!p0 $0x88, s6;
	s7 =	simm.s32 @p2 $0x1082  }
0x22: {  	[simem:s7], [sflag:s8] =	dma.local @!p0 [hbm:s6], $0xF7A  }
0x23: {  	s9 =	sor.u32 $0xD0000000, s2;
	s6 =	simm.s32 $0x108;
	_ =	swait.ge @!p0 [sflag:s8], $0x0  }
0x24: {  	s3 =	sadd.s32 $0x88, s3;
	s6 =	simm.s32 @!p1 $0x1082;
	[sflag:s4] =	ssyncset.s32 $0xFFFFF086  }
0x25: {  	[simem:s6], [sflag:s4] =	dma.local [hbm:s3], $0xF7A  }
0x26: {  	[smem:$0x3F9E] =	sst s1;
	(tag) =	ssettag s2;
	_ =	strace s9  }
0x27: {  	s1 =	sld [smem:$0x3FAE]  }
0x28: {  	s2 =	sld [smem:$0x3FAF]  }
0x29: {  	s4 =	sld [smem:$0x3FB1]  }
0x2a: {  	p0 =	seq.s32 s5, $0x0;
	s5 =	sld [smem:$0x3FB2]  }
0x2b: {  	s6 =	sld [smem:$0x3FB3]  }
0x2c: {  	s7 =	sld [smem:$0x3FB4]  }
0x2d: {  	s3 =	simm.s32 $0x108;
	s8 =	sld [smem:$0x3FB5]  }
0x2e: {  	s3 =	simm.s32 @!p0 $0x1082;
	s9 =	sld [smem:$0x3FB6]  }
0x2f: {  	lr =	sadd.s32 s0, s3;
	s0 =	sld [smem:$0x3FAD]  }
0x30: {  	s3 =	sld [smem:$0x3FB0]  }
0x31: {  	[smem:$0x3FB9] =	sst s10  }
0x32: {  	s10 =	sld [smem:$0x3FB7];
	_ =	sdelay $0x3  }
0x33: {  	p0 =	seq.s32 s10, $0x1;
	s10 =	sld [smem:$0x3FB9];
	_ =	sdelay $0x3  }
0x34: {  	[smem:$0x3FB9] =	sst s10  }
0x35: {  	s10 =	sld [smem:$0x3FB8];
	_ =	sdelay $0x3  }
0x36: {  	p1 =	seq.s32 s10, $0x1;
	s10 =	sld [smem:$0x3FB9];
	_ =	sdelay $0x3  }
0x37: {  	[smem:$0x3FB9] =	sst s10  }
0x38: {  	s10 =	sld [smem:$0x3FBA]  }
0x39: {  	_ = 	snop;
	(pc) =	sbr.ind lr, $3  }
0x3a: {  	_ = 	snop  }
0x3b: {  	_ = 	snop  }
0x3c: {  	p2 =	seq.s32 s10, $0x1;
	s10 =	sld [smem:$0x3FB9]  }
0x3d: {  	_ =	shalt  }
0x3e: {  	_ =	shalt  }
0x3f: {  	_ =	shalt  }
0x40: {  	_ =	shalt  }
0x41: {  	_ =	shalt  }
0x42: {  	_ =	shalt  }
0x43: {  	_ =	shalt  }
0x44: {  	_ =	shalt  }
0x45: {  	_ =	shalt  }
0x46: {  	_ =	shalt  }
0x47: {  	_ =	shalt  }
0x48: {  	_ =	shalt  }
0x49: {  	_ =	shalt  }
0x4a: {  	_ =	shalt  }
0x4b: {  	_ =	shalt  }
0x4c: {  	_ =	shalt  }
0x4d: {  	_ =	shalt  }
0x4e: {  	_ =	shalt  }
0x4f: {  	_ =	shalt  }
0x50: {  	_ =	shalt  }
0x51: {  	_ =	shalt  }
0x52: {  	_ =	shalt  }
0x53: {  	_ =	shalt  }
0x54: {  	_ =	shalt  }
0x55: {  	_ =	shalt  }
0x56: {  	_ =	shalt  }
0x57: {  	_ =	shalt  }
0x58: {  	_ =	shalt  }
0x59: {  	_ =	shalt  }
0x5a: {  	_ =	shalt  }
0x5b: {  	_ =	shalt  }
0x5c: {  	_ =	shalt  }
0x5d: {  	_ =	shalt  }
0x5e: {  	_ =	shalt  }
0x5f: {  	_ =	shalt  }
0x60: {  	_ =	shalt  }
0x61: {  	_ =	shalt  }
0x62: {  	_ =	shalt  }
0x63: {  	_ =	shalt  }
0x64: {  	_ =	shalt  }
0x65: {  	_ =	shalt  }
0x66: {  	_ =	shalt  }
0x67: {  	_ =	shalt  }
0x68: {  	_ =	shalt  }
0x69: {  	_ =	shalt  }
0x6a: {  	_ =	shalt  }
0x6b: {  	_ =	shalt  }
0x6c: {  	_ =	shalt  }
0x6d: {  	_ =	shalt  }
0x6e: {  	_ =	shalt  }
0x6f: {  	_ =	shalt  }
0x70: {  	_ =	shalt  }
0x71: {  	_ =	shalt  }
0x72: {  	_ =	shalt  }
0x73: {  	_ =	shalt  }
0x74: {  	_ =	shalt  }
0x75: {  	_ =	shalt  }
0x76: {  	_ =	shalt  }
0x77: {  	_ =	shalt  }
0x78: {  	_ =	shalt  }
0x79: {  	_ =	shalt  }
0x7a: {  	_ =	shalt  }
0x7b: {  	_ =	shalt  }
0x7c: {  	_ =	shalt  }
0x7d: {  	_ =	shalt  }
0x7e: {  	_ =	shalt  }
0x7f: {  	_ =	shalt  }
0x80: {  	_ =	shalt  }
0x81: {  	_ =	shalt  }
0x82: {  	_ =	shalt  }
0x83: {  	_ =	shalt  }
0x84: {  	_ =	shalt  }
0x85: {  	_ =	shalt  }
0x86: {  	_ =	shalt  }
0x87: {  	_ =	shalt  }
.Lfunc_end0:
.L_simem_size_0:
called_computation_lowered:
.L_overlay_start_0:
0x88: {  	s2 =	sld [smem:$0x3FD9]  }
0x89: {  	s3 =	sld [smem:$0x3FFE];
	_ =	sdelay $0x1  }
0x8a: {  	s1 =	srdreg.scid  }
0x8b: {  	s0 =	sand.u32 $0x1, s1  }
0x8c: {  	s18 =	sshll.u32 s0, $0xA;
	s2 =	sadd.s32 s3, s2  }
0x8d: {  	s2 =	sadd.s32 s2, s18  }
0x8e: {  	[smem:$0x3FC5] =	sst s2  }
0x8f: {  	_ = 	snop  }
0x90: {  	s2 =	sld [smem:$0x3FC9]  }
0x91: {  	s19 =	sld [smem:$0x3FC8]  }
0x92: {  	s4 =	sld [smem:$0x3FC7]  }
0x93: {  	s5 =	sld [smem:$0x3FD0];
	(tm) =	ssettm $0x1  }
0x94: {  	s6 =	sld [smem:$0x3FFB];
	_ =	sdelay $0x3  }
0x95: {  	_ =	strace s6  }
0x96: {  	s6 =	sld [smem:$0x3FFC];
	_ =	sdelay $0x3  }
0x97: {  	_ =	strace s6  }
0x98: {  	s6 =	sld [smem:$0x3FFD];
	_ =	sdelay $0x3  }
0x99: {  	_ =	strace s6  }
0x9a: {  	_ =	strace $0x8FFFFFFF  }
0x9b: {  	s20 =	sld [smem:$0x3FDB];
	_ =	sdelay $0x1  }
0x9c: {  	s7 =	simm.s32 $_scs_section_size  }
0x9d: {  	s8 =	simm.s32 $_size__tile_overlayer_lowered;
	s9 =	simm.s32 $_tile_overlayer_lowered  }
0x9e: {  	s23 =	simm.s32 $0x1BFF;
	s22 =	sshll.u32 s9, $0x1;
	s6 =	sadd.s32 s7, s20  }
0x9f: {  	s10 =	simm.s32 $0x0;
	s21 =	sshll.u32 s8, $0x1;
	s8 =	sadd.s32 s22, s6  }
0xa0: {  	[timem:s10], [sflag:s23] =	dma.local [hbm:s8], s21  }
0xa1: {  	_ =	swait.ge [sflag:s23], s21  }
0xa2: {  	s7 =	ssub.s32 $0x0, s21;
	[sflag:s23] =	ssyncset.done $0x0  }
0xa3: {  	[sflag:s23] =	ssyncadd.s32 s7;
	_ =	sdelay $0x1  }
0xa4: {  	s24 =	simm.s32 $0x1B8B  }
0xa5: {  	_ =	swait.ge [sflag:s24], $0x1  }
0xa6: {  	[sflag:s24] =	ssyncset.done $0x0  }
0xa7: {  	s25 =	simm.s32 $0x1B8E;
	[sflag:s24] =	ssyncadd.s32 $0xFFFFFFFF  }
0xa8: {  	s26 =	simm.s32 $execute0_lowered;
	[smem:$0x3FD2] =	sst s25  }
0xa9: {  	s7 =	sshll.u32 s26, $0x1;
	_ =	strace $0x80000046;
	[dreg:$0x1] =	wrdreg $0xFFFFFFFF  }
0xaa: {  	s28 =	simm.s32 $_size_execute0_lowered;
	s6 =	sadd.s32 s6, s7;
	[dreg:$0x0] =	wrdreg $0x0  }
0xab: {  	s7 =	sshll.u32 s28, $0x1;
	[dreg:$0x2] =	wrdreg s6  }
0xac: {  	[dreg:$0x3] =	wrdreg s7  }
0xad: {  	[dreg:$0x4] =	wrdreg $0xC0  }
0xae: {  	_ =	task [dreg:s10], $0x5FFFF  }
0xaf: {  	[dreg:$0x1] =	wrdreg $0xFFFFFFFF  }
0xb0: {  	[dreg:$0x0] =	wrdreg $0x60  }
0xb1: {  	[dreg:$0x2] =	wrdreg s2  }
0xb2: {  	[dreg:$0x3] =	wrdreg s19  }
0xb3: {  	[dreg:$0x4] =	wrdreg s4  }
0xb4: {  	[dreg:$0x5] =	wrdreg s5  }
0xb5: {  	[dreg:$0x6] =	wrdreg $0x9  }
0xb6: {  	_ =	task.clear_ibuf [dreg:s10], $0x7FFFF;
	_ =	strace $0x90000046  }
0xb7: {  	s29 =	simm.s32 $0x9;
	_ =	strace $0x80000048  }
0xb8: {  	_ =	swait.ge [sflag:s29], $0x1  }
0xb9: {  	[sflag:s29] =	ssyncadd.s32 $0xFFFFFFFF  }
0xba: {  	_ =	strace $0x90000048  }
0xbb: {  	_ =	sfence  }
0xbc: {  	s30 =	sld [smem:$0x0];
	_ =	sdelay $0x2  }
0xbd: {  	s31 =	sshll.u32 s1, $0xD;
	s1 =	sshrl.u32 s1, $0x2  }
0xbe: {  	s3 =	sand.u32 $0x4000, s31;
	s1 =	sadd.s32 s1, s30  }
0xbf: {  	s0 =	sor.u32 s3, s0;
	s1 =	sshll.u32 s1, $0x11  }
0xc0: {  	s0 =	sor.u32 s1, s0  }
0xc1: {  	s0 =	sadd.s32 $0x8F2B, s0  }
0xc2: {  	[sflag:s0] =	ssyncadd.remote.s32 $0x1  }
0xc3: {  	_ =	sfence.sel $0xFFFF  }
0xc4: {  	[dreg:$0x0] =	wrdreg $0xFFFFFFFF;
	(pc) =	sbr.abs _section_cstart, $3  }
0xc5: {  	[dreg:$0x1] =	wrdreg $0xFFFFFFFF  }
0xc6: {  	_ =	task.clear_ibuf [dreg:s10], $0x2FFFF;
	_ =	strace $0x9FFFFFFF  }
0xc7: {  	(tm) =	ssettm $0x7FFFFFFF  }
tec
execute0_lowered:
.L_overlay_start_1:
0x0: {  	(tag) =	ssettag $0x1  }
0x1: {  	s1 =	srdreg.scid  }
0x2: {  	s0 =	stileid.u32;
	s4 =	sand.u32 $0x1, s1  }
0x3: {  	s25 =	sshll.u32 s0, $0x8;
	s2 =	sshll.u32 s4, $0x7  }
0x4: {  	s5 =	sor.u32 s2, s25  }
0x5: {  	v3 =	vlaneseq.u32;
	s1 =	sor.u32 $0x10, s5;
	v0 =	vmov s5  }
0x6: {  	v7 =	vmul.u32 $0xC8, v3;
	s2 =	sor.u32 $0x20, s5;
	s3 =	sor.u32 $0x30, s5;
	s9 =	sor.u32 $0x40, s5;
	v1 =	vmov s1;
	v0 =	vmul.u32 $0xC8, v0  }
0x7: {  	s26 =	sor.u32 $0x50, s5;
	s28 =	sor.u32 $0x60, s5;
	s10 =	sor.u32 $0x70, s5;
	v2 =	vmov s2;
	v3 =	vmov s3;
	v4 =	vmov s9  }
0x8: {  	s6 =	rddreg [dreg:$0x0];
	v5 =	vmov s26;
	v6 =	vmov s28;
	v8 =	vmov s10  }
0x9: {  	s7 =	rddreg [dreg:$0x2];
	v1 =	vmul.u32 $0xC8, v1;
	v2 =	vmul.u32 $0xC8, v2;
	v3 =	vmul.u32 $0xC8, v3  }
0xa: {  	s8 =	rddreg [dreg:$0x3];
	s4 =	ssub.s32 $0x2, s4;
	v4 =	vmul.u32 $0xC8, v4;
	v5 =	vmul.u32 $0xC8, v5;
	v0 =	vbroadcast v0, $0x0  }
0xb: {  	s11 =	simm.s32 $0x1;
	s12 =	simm.s32 $0x0;
	s29 =	sshrl.u32 s4, $0x1;
	v6 =	vmul.u32 $0xC8, v6;
	v1 =	vbroadcast v1, $0x0;
	v2 =	vbroadcast v2, $0x0  }
0xc: {  	s30 =	sshrl.u32 s5, $0x3;
	s31 =	sshll.u32 s5, $0x4;
	s1 =	rddreg [dreg:$0x1];
	v8 =	vmul.u32 $0xC8, v8;
	v3 =	vbroadcast v3, $0x0;
	v4 =	vbroadcast v4, $0x0  }
0xd: {  	s2 =	rddreg [dreg:$0x4];
	s3 =	simm.s32 $0x0;
	s9 =	ssub.s32 s4, s29;
	v5 =	vbroadcast v5, $0x0;
	v6 =	vbroadcast v6, $0x0  }
0xe: {  	s4 =	sadd.s32 s7, s30;
	s5 =	sadd.s32 s6, s31;
	s6 =	sadd.s32 s8, s31;
	v8 =	vbroadcast v8, $0x0;
	v0 =	vadd.s32 v7, v0;
	v1 =	vadd.s32 v7, v1  }
0xf: {  	s8 =	simm.s32 $0x2;
	s10 =	simm.s32 $0x4080;
	[smem:$0x7FF] =	sst s3;
	v2 =	vadd.s32 v7, v2;
	v3 =	vadd.s32 v7, v3;
	v4 =	vadd.s32 v7, v4  }
0x10: {  	s7 =	smax.u32 s9, $0x1;
	s9 =	simm.s32 $0x80;
	_ =	strace $0x80000047;
	v5 =	vadd.s32 v7, v5;
	v6 =	vadd.s32 v7, v6;
	v7 =	vadd.s32 v7, v8  }
.LBB2_1:
0x11: {  	[tilespmem:s3], [sflag:$0x2] =	stream.linear.gather [hbm4b:s4+s3], $0x80, $0x38;
	[tilespmem:$0x8080] =	vst v63  }
0x12: {  	_ =	swait.ge [sflag:s8], $0x80  }
0x13: {  	[sflag:s8] =	ssyncset.done $0x0  }
0x14: {  	[sflag:s8] =	ssyncadd.s32 $0xFFFFFF80  }
0x15: {  	v8 =	vld [tilespmem:$0x0]  }
0x16: {  	v9 =	vld [tilespmem:$0x10]  }
0x17: {  	v10 =	vld [tilespmem:$0x20]  }
0x18: {  	v11 =	vld [tilespmem:$0x30]  }
0x19: {  	v12 =	vld [tilespmem:$0x40]  }
0x1a: {  	v13 =	vld [tilespmem:$0x50];
	v8 =	vadd.s32 v8, v0  }
0x1b: {  	[tilespmem:$0x0] =	vst v8;
	v8 =	vadd.s32 v9, v1;
	v9 =	vld [tilespmem:$0x60]  }
0x1c: {  	[tilespmem:$0x10] =	vst v8;
	v8 =	vadd.s32 v10, v2;
	v10 =	vld [tilespmem:$0x70]  }
0x1d: {  	[tilespmem:$0x20] =	vst v8;
	v8 =	vadd.s32 v11, v3  }
0x1e: {  	[tilespmem:$0x30] =	vst v8;
	v8 =	vadd.s32 v12, v4  }
0x1f: {  	[tilespmem:$0x40] =	vst v8;
	v8 =	vadd.s32 v13, v5  }
0x20: {  	[tilespmem:$0x50] =	vst v8;
	v8 =	vadd.s32 v9, v6  }
0x21: {  	[tilespmem:$0x60] =	vst v8;
	v8 =	vadd.s32 v10, v7  }
0x22: {  	[tilespmem:$0x70] =	vst v8  }
0x23: {  	[tilespmem:s9], [sflag:$0x1] =	stream.indirect.gather [hbm4b:s1+s9], $0x80, s3, s9, $0xb8;
	[tilespmem:$0x8080] =	vst v63  }
0x24: {  	_ = 	snop  }
0x25: {  	[tilespmem:s10], [sflag:$0x2] =	stream.linear.gather [hbm4b:s5+s3], $0x4000, $0x38;
	[tilespmem:$0x8080] =	vst v63  }
0x26: {  	_ =	swait.ge [sflag:s8], $0x4000  }
0x27: {  	[sflag:s8] =	ssyncset.done $0x0  }
0x28: {  	[sflag:s8] =	ssyncadd.s32 $0xFFFFC000  }
0x29: {  	_ =	swait.ge [sflag:s11], $0x4000  }
0x2a: {  	[sflag:s11] =	ssyncset.done $0x0  }
0x2b: {  	s13 =	simm.s32 $0x0;
	[sflag:s11] =	ssyncadd.s32 $0xFFFFC000  }
0x2c: {  	v15 =	vld [tilespmem:s13+$0x4080]  }
0x2d: {  	v19 =	vld [tilespmem:s13+$0x4090]  }
0x2e: {  	v13 =	vld [tilespmem:s13+$0x40A0]  }
0x2f: {  	v12 =	vld [tilespmem:s13+$0x40B0]  }
0x30: {  	v11 =	vld [tilespmem:s13+$0x40C0]  }
0x31: {  	v10 =	vld [tilespmem:s13+$0x40D0]  }
0x32: {  	v9 =	vld [tilespmem:s13+$0x40E0]  }
0x33: {  	v8 =	vld [tilespmem:s13+$0x40F0]  }
0x34: {  	v20 =	vld [tilespmem:s13+$0x80]  }
0x35: {  	v21 =	vld [tilespmem:s13+$0x90]  }
0x36: {  	v18 =	vld [tilespmem:s13+$0xA0]  }
0x37: {  	v17 =	vld [tilespmem:s13+$0xB0]  }
0x38: {  	v16 =	vld [tilespmem:s13+$0xC0]  }
0x39: {  	v14 =	vld [tilespmem:s13+$0xD0];
	v20 =	vadd.f32 v15, v20  }
0x3a: {  	s14 =	simm.s32 $0x200;
	v19 =	vadd.f32 v19, v21;
	v15 =	vld [tilespmem:s13+$0xE0]  }
.LBB2_2:
0x3b: {  	s15 =	sshra.s32 s14, $0x2;
	p0 =	sne.s32 s14, $0xFE00;
	[tilespmem:s13+$0x80] =	vst v20;
	v13 =	vadd.f32 v13, v18;
	v18 =	vld [tilespmem:s13+$0xF0]  }
0x3c: {  	v20 =	vld [tilespmem:s15+$0x4080];
	[tilespmem:s13+$0x90] =	vst v19;
	v12 =	vadd.f32 v12, v17  }
0x3d: {  	v19 =	vld [tilespmem:s15+$0x4090];
	[tilespmem:s13+$0xA0] =	vst v13;
	v11 =	vadd.f32 v11, v16  }
0x3e: {  	v13 =	vld [tilespmem:s15+$0x40A0];
	[tilespmem:s13+$0xB0] =	vst v12;
	v10 =	vadd.f32 v10, v14  }
0x3f: {  	v12 =	vld [tilespmem:s15+$0x40B0];
	[tilespmem:s13+$0xC0] =	vst v11;
	v9 =	vadd.f32 v9, v15  }
0x40: {  	v11 =	vld [tilespmem:s15+$0x40C0];
	[tilespmem:s13+$0xD0] =	vst v10;
	v8 =	vadd.f32 v8, v18  }
0x41: {  	v10 =	vld [tilespmem:s15+$0x40D0];
	[tilespmem:s13+$0xE0] =	vst v9  }
0x42: {  	v9 =	vld [tilespmem:s15+$0x40E0];
	[tilespmem:s13+$0xF0] =	vst v8;
	s13 =	smov.u32 s15  }
0x43: {  	v8 =	vld [tilespmem:s13+$0x40F0]  }
0x44: {  	v14 =	vld [tilespmem:s13+$0x80]  }
0x45: {  	v15 =	vld [tilespmem:s13+$0x90]  }
.Ltmp0:
0x46: {  	v18 =	vld [tilespmem:s13+$0xA0];
	(pc) =	sbr.rel @p0 .LBB2_2-.Ltmp0, $4  }
0x47: {  	v17 =	vld [tilespmem:s13+$0xB0]  }
0x48: {  	v16 =	vld [tilespmem:s13+$0xC0]  }
0x49: {  	v20 =	vadd.f32 v20, v14;
	v14 =	vld [tilespmem:s13+$0xD0]  }
0x4a: {  	s14 =	sadd.s32 $0x200, s14;
	v19 =	vadd.f32 v19, v15;
	v15 =	vld [tilespmem:s13+$0xE0]  }
0x4b: {  	[tilespmem:s13+$0x80] =	vst v20;
	v13 =	vadd.f32 v13, v18;
	v63 =	vld [tilespmem:s13+$0xF0]  }
0x4c: {  	[tilespmem:s13+$0x90] =	vst v19;
	v12 =	vadd.f32 v12, v17  }
0x4d: {  	[tilespmem:s13+$0xA0] =	vst v13;
	v11 =	vadd.f32 v11, v16  }
0x4e: {  	[tilespmem:s13+$0xB0] =	vst v12;
	v10 =	vadd.f32 v10, v14  }
0x4f: {  	[tilespmem:s13+$0xC0] =	vst v11;
	v9 =	vadd.f32 v9, v15  }
0x50: {  	s12 =	sadd.s32 $0x1, s12;
	[tilespmem:s13+$0xD0] =	vst v10;
	v8 =	vadd.f32 v8, v63  }
0x51: {  	p0 =	sne.s32 s12, s7;
	[tilespmem:s13+$0xE0] =	vst v9  }
.Ltmp1:
0x52: {  	[tilespmem:s13+$0xF0] =	vst v8;
	(pc) =	sbr.rel @p0 .LBB2_1-.Ltmp1, $4  }
0x53: {  	[hbm4b:s6+s3] =	stream.linear.scatter [tilespmem:s9], [sflag:$0x2], $0x4000, $0x38;
	[tilespmem:$0x8080] =	vst v63  }
0x54: {  	_ =	swait.ge [sflag:s8], $0x4000  }
0x55: {  	[sflag:s8] =	ssyncset.done $0x0  }
0x56: {  	[sflag:s8] =	ssyncadd.s32 $0xFFFFC000  }
0x57: {  	_ =	sfence.sel $0x180000  }
0x58: {  	[bflag:$0x0] =	sbarrier.arrive $0xFFFF  }
0x59: {  	p0 =	sne.s32 s0, $0x0;
	_ =	strace $0x90000047  }
0x5a: {  	s0 =	sadd.s32 @!p0 $0x100000, s2;
	[bflag:$0x2] =	sbarrier.arrive $0xFFFF  }
0x5b: {  	[sflag:s0] =	ssyncadd.tile.s32 @!p0 $0x1;
	_ =	shalt  }
.Lfunc_end2:
_tile_overlayer_lowered:
.L_overlay_start_2:
0x5c: {  	(tag) =	ssettag $0x2  }
0x5d: {  	s0 =	rddreg [dreg:$0x0];
	s2 =	stileid.u32  }
0x5e: {  	s1 =	rddreg [dreg:$0x1];
	p0 =	sne.s32 s2, $0x0  }
0x5f: {  	s3 =	rddreg [dreg:$0x2];
	[bflag:$0x3] =	sbarrier.arrive $0xFFFF;
	s2 =	simm.s32 @!p0 $0x1C02  }
0x60: {  	[timem:s3], [sflag:s2] =	dma.local @!p0 [hbm:s0], s1  }
0x61: {  	s0 =	simm.s32 @!p0 $0x2  }
0x62: {  	_ =	swait.ge @!p0 [sflag:s0], s1  }
0x63: {  	s1 =	ssub.s32 @!p0 $0x0, s1;
	[sflag:s0] =	ssyncset.done @!p0 $0x0  }
0x64: {  	[sflag:s0] =	ssyncadd.s32 @!p0 s1  }
0x65: {  	[bflag:$0x3] =	sbarrier.arrive $0xFFFF  }
0x66: {  	_ =	shalt  }

</sc_bundles>
